<compile_context>
chip_gen: v7x
topology: tpu7x:2x2x1
jax: 0.10.2.dev20260603
libtpu: 0.0.44.dev20260713+nightly
codegen_flags: <defaults>
</compile_context>

<pallas_src>
import functools

import jax
import jax.numpy as jnp
from jax import lax
from jax.experimental import pallas as pl
from jax.experimental.pallas import tpu as pltpu
from jax.experimental.pallas import tpu_sc as plsc

N = 320000
D = 128
NSEG = 10000

CHUNK = 128
CHUNKS_PER_SUB = 157
NCHUNK = 16 * CHUNKS_PER_SUB
NPAD = NCHUNK * CHUNK
B1 = 2048
SPAD = 10112
ZROWS = SPAD // 16
GCHUNK = 400
GITER = 10000 // GCHUNK

_mesh = plsc.VectorSubcoreMesh(core_axis_name="c", subcore_axis_name="s")


def _k1_body(x_ref, wf_ref, bf_ref, wg_ref, bg_ref, o_ref):
    xb = x_ref[...]
    fx = jnp.dot(xb, wf_ref[...], preferred_element_type=jnp.float32) + bf_ref[...]
    gx = jnp.dot(xb, wg_ref[...], preferred_element_type=jnp.float32) + bg_ref[...]
    e = jnp.exp(jnp.clip(gx, -50.0, 50.0))
    o_ref[0] = fx * e
    o_ref[1] = e


_k1 = pl.pallas_call(
    _k1_body,
    grid=(NPAD // B1,),
    in_specs=[
        pl.BlockSpec((B1, D), lambda i: (i, 0)),
        pl.BlockSpec((D, D), lambda i: (0, 0)),
        pl.BlockSpec((1, D), lambda i: (0, 0)),
        pl.BlockSpec((D, D), lambda i: (0, 0)),
        pl.BlockSpec((1, D), lambda i: (0, 0)),
    ],
    out_specs=pl.BlockSpec((2, B1, D), lambda i: (0, i, 0)),
    out_shape=jax.ShapeDtypeStruct((2, NPAD, D), jnp.float32),
)


@functools.partial(
    pl.kernel,
    mesh=_mesh,
    out_type=jax.ShapeDtypeStruct((2, SPAD, D), jnp.float32),
    scratch_types=[
        pltpu.VMEM((CHUNKS_PER_SUB, CHUNK), jnp.int32),
        pltpu.VMEM((CHUNK, D), jnp.float32),
        pltpu.VMEM_SHARED((SPAD, D), jnp.float32),
    ],
)
def _k2(contrib_hbm, ix3d_hbm, zeros_hbm, out_hbm, idx_v, val_v, acc):
    c = lax.axis_index("c")
    s = lax.axis_index("s")
    pltpu.sync_copy(zeros_hbm, acc.at[pl.ds(s * ZROWS, ZROWS)])
    pltpu.sync_copy(ix3d_hbm.at[s], idx_v)
    plsc.subcore_barrier()

    def body(j, carry):
        row0 = (s * CHUNKS_PER_SUB + j) * CHUNK
        pltpu.sync_copy(contrib_hbm.at[c, pl.ds(row0, CHUNK)], val_v)
        pltpu.sync_copy(val_v, acc.at[idx_v.at[j]], add=True)
        return carry

    lax.fori_loop(0, CHUNKS_PER_SUB, body, 0)
    plsc.subcore_barrier()
    pltpu.sync_copy(
        acc.at[pl.ds(s * ZROWS, ZROWS)], out_hbm.at[c, pl.ds(s * ZROWS, ZROWS)]
    )


def _k3_body(num_ref, den_ref, wh_ref, bh_ref, o_ref):
    y = num_ref[0] / den_ref[0]
    o_ref[...] = jnp.dot(y, wh_ref[...], preferred_element_type=jnp.float32) + bh_ref[...]


_k3 = pl.pallas_call(
    _k3_body,
    grid=(8,),
    in_specs=[
        pl.BlockSpec((1, SPAD // 8, D), lambda i: (0, i, 0)),
        pl.BlockSpec((1, SPAD // 8, D), lambda i: (1, i, 0)),
        pl.BlockSpec((D, D), lambda i: (0, 0)),
        pl.BlockSpec((1, D), lambda i: (0, 0)),
    ],
    out_specs=pl.BlockSpec((SPAD // 8, D), lambda i: (i, 0)),
    out_shape=jax.ShapeDtypeStruct((SPAD, D), jnp.float32),
)


@functools.partial(
    pl.kernel,
    mesh=_mesh,
    out_type=jax.ShapeDtypeStruct((N, D), jnp.float32),
    scratch_types=[
        pltpu.VMEM((GCHUNK,), jnp.int32),
        pltpu.VMEM((GCHUNK, D), jnp.float32),
        pltpu.SemaphoreType.DMA,
    ],
)
def _k4(yh_hbm, ix_hbm, out_hbm, idx_v, rows_v, sem):
    c = lax.axis_index("c")
    s = lax.axis_index("s")
    base = (s * 2 + c) * (N // 32)

    def body(j, carry):
        off = base + j * GCHUNK
        pltpu.sync_copy(ix_hbm.at[pl.ds(off, GCHUNK)], idx_v)
        pltpu.async_copy(yh_hbm.at[idx_v], rows_v, sem).wait()
        pltpu.sync_copy(rows_v, out_hbm.at[pl.ds(off, GCHUNK)])
        return carry

    lax.fori_loop(0, GITER, body, 0)


def kernel(x, ix, Wf, bf, Wg, bg, Wh, bh):
    x2d = x.reshape(N, D)
    ix_i = ix.reshape(N).astype(jnp.int32)
    contrib = _k1(x2d, Wf.T, bf[None], Wg.T, bg[None])
    ix_pad = (
        jnp.full((NPAD,), NSEG, jnp.int32)
        .at[:N]
        .set(ix_i)
        .reshape(16, CHUNKS_PER_SUB, CHUNK)
    )
    zeros = jnp.zeros((ZROWS, D), jnp.float32)
    sums = _k2(contrib, ix_pad, zeros)
    yh = _k3(sums, sums, Wh.T, bh[None])
    out = _k4(yh, ix_i)
    return out[None]

# --- scband reference (transcript-rebuilt; emitter-appended) ---
"""Pipeline reference for scband-soft-agg-cv28-exact-78726750535843 (READ-ONLY COPY).

The authoritative reference and input builder live on the scoring server;
editing this copy changes nothing except your own understanding.
"""

import jax, jax.numpy as jnp
import numpy as np

DIM = 128
N = 320000
NSEG = 10000


def setup_inputs(seed: int = 0) -> dict:
    key = jax.random.key(seed)
    ks = jax.random.split(key, 8)
    x = jax.random.normal(ks[0], (1, N, DIM), dtype=jnp.float32)
    ix = jax.random.randint(ks[1], (N,), 0, NSEG)
    bound = 1.0 / np.sqrt(DIM)
    Wf = jax.random.uniform(ks[2], (DIM, DIM), minval=-bound, maxval=bound, dtype=jnp.float32)
    bf = jax.random.uniform(ks[3], (DIM,), minval=-bound, maxval=bound, dtype=jnp.float32)
    Wg = jax.random.uniform(ks[4], (DIM, DIM), minval=-bound, maxval=bound, dtype=jnp.float32)
    bg = jax.random.uniform(ks[5], (DIM,), minval=-bound, maxval=bound, dtype=jnp.float32)
    Wh = jax.random.uniform(ks[6], (DIM, DIM), minval=-bound, maxval=bound, dtype=jnp.float32)
    bh = jax.random.uniform(ks[7], (DIM,), minval=-bound, maxval=bound, dtype=jnp.float32)
    return {"x": x, "ix": ix, "Wf": Wf, "bf": bf, "Wg": Wg, "bg": bg, "Wh": Wh, "bh": bh}


def reference(x, ix, Wf, bf, Wg, bg, Wh, bh):
    if x.ndim == 2:
        x = x[None]
    if ix.ndim == 1:
        ix = ix[None]
    B, N_, C = x.shape
    ix0 = ix[0]
    fx = (x @ Wf.T + bf)[0]
    gx = (x @ Wg.T + bg)[0]
    gx = jnp.clip(gx, -50.0, 50.0)
    exp_gx = jnp.exp(gx)
    perm = jnp.argsort(ix0)
    sorted_ix = ix0[perm]
    fx = fx[perm]
    exp_gx = exp_gx[perm]
    is_new = jnp.ones_like(sorted_ix)
    is_new = is_new.at[1:].set((sorted_ix[1:] != sorted_ix[:-1]).astype(sorted_ix.dtype))
    group_id = jnp.cumsum(is_new) - 1
    G = N_
    denom = jax.ops.segment_sum(exp_gx, group_id, num_segments=G)
    w = exp_gx / denom[group_id]
    y = jax.ops.segment_sum(fx * w, group_id, num_segments=G)
    y = y @ Wh.T + bh
    out = jnp.zeros((N_, C), dtype=y.dtype).at[perm].set(y[group_id])
    return out[None]

if __name__ == "__main__":
    import jax
    _d = setup_inputs()
    print(jax.jit(kernel)(*tuple(_d.values())))

</pallas_src>

<mosaic_0001>
#map = affine_map<(d0, d1) -> (0, 0, 0)>
#map1 = affine_map<(d0, d1) -> (0, 0)>
module attributes {stable_mosaic.version = 14 : i64} {
  func.func @_k2(%arg0: i32, %arg1: i32, %arg2: memref<2x321536x128xf32, #tpu.memory_space<hbm>>, %arg3: memref<16x157x128xi32, #tpu.memory_space<hbm>>, %arg4: memref<632x128xf32, #tpu.memory_space<hbm>>, %arg5: memref<2x10112x128xf32, #tpu.memory_space<hbm>>, %arg6: memref<157x128xi32, #tpu.memory_space<vmem>>, %arg7: memref<128x128xf32, #tpu.memory_space<vmem>>, %arg8: memref<10112x128xf32, #tpu.memory_space<vmem_shared>>) attributes {dimension_semantics = [#tpu.dimension_semantics<core_parallel>, #tpu.dimension_semantics<subcore_parallel>], iteration_bounds = array<i64: 2, 16>, scalar_prefetch = 0 : i64, scratch_operands = 3 : i64, tpu.core_type = #tpu.core_type<sc_vector_subcore>, window_params = [{transform_indices = #map}, {transform_indices = #map}, {transform_indices = #map1}, {transform_indices = #map}]} {
    %mul3A = arith.constant 632 : i32
    %mul3A_0 = arith.muli %arg1, %mul3A : i32
    "tpu.region"() ({
      %run_scoped3A = tpu.sem_alloc : memref<!tpu.dma_semaphore, #tpu.memory_space<semaphore_mem>>
      %dma_start3A = arith.constant 0 : i32
      %dma_start3A_11 = tpu.memref_slice %arg8[%mul3A_0, %dma_start3A] : memref<10112x128xf32, #tpu.memory_space<vmem_shared>> -> memref<632x128xf32, #tpu.memory_space<vmem_shared>>
      tpu.enqueue_dma source(%arg4 : memref<632x128xf32, #tpu.memory_space<hbm>>) target(%dma_start3A_11 : memref<632x128xf32, #tpu.memory_space<vmem_shared>>) target_semaphore(%run_scoped3A : memref<!tpu.dma_semaphore, #tpu.memory_space<semaphore_mem>>)
      %dma_wait3A = arith.constant 0 : i32
      %dma_wait3A_12 = tpu.memref_slice %arg8[%mul3A_0, %dma_wait3A] : memref<10112x128xf32, #tpu.memory_space<vmem_shared>> -> memref<632x128xf32, #tpu.memory_space<vmem_shared>>
      tpu.wait_dma2 semaphore(%run_scoped3A : memref<!tpu.dma_semaphore, #tpu.memory_space<semaphore_mem>>) src(%arg4 : memref<632x128xf32, #tpu.memory_space<hbm>>) dst(%dma_wait3A_12 : memref<632x128xf32, #tpu.memory_space<vmem_shared>>)
      tpu.yield
    }) : () -> ()
    "tpu.region"() ({
      %run_scoped3A = tpu.sem_alloc : memref<!tpu.dma_semaphore, #tpu.memory_space<semaphore_mem>>
      %dma_start3A = arith.constant 0 : i32
      %dma_start3A_11 = arith.constant 0 : i32
      %dma_start3A_12 = tpu.memref_slice %arg3[%arg1, %dma_start3A, %dma_start3A_11] : memref<16x157x128xi32, #tpu.memory_space<hbm>> -> memref<1x157x128xi32, #tpu.memory_space<hbm>>
      %dma_start3A_13 = tpu.memref_squeeze %dma_start3A_12 : memref<1x157x128xi32, #tpu.memory_space<hbm>> -> memref<157x128xi32, #tpu.memory_space<hbm>>
      %dma_start3A_14 = arith.constant 0 : i32
      %dma_start3A_15 = arith.constant 0 : i32
      %dma_start3A_16 = tpu.memref_slice %arg3[%arg1, %dma_start3A_14, %dma_start3A_15] : memref<16x157x128xi32, #tpu.memory_space<hbm>> -> memref<1x157x128xi32, #tpu.memory_space<hbm>>
      %dma_start3A_17 = tpu.memref_squeeze %dma_start3A_16 : memref<1x157x128xi32, #tpu.memory_space<hbm>> -> memref<157x128xi32, #tpu.memory_space<hbm>>
      tpu.enqueue_dma source(%dma_start3A_17 : memref<157x128xi32, #tpu.memory_space<hbm>>) target(%arg6 : memref<157x128xi32, #tpu.memory_space<vmem>>) target_semaphore(%run_scoped3A : memref<!tpu.dma_semaphore, #tpu.memory_space<semaphore_mem>>)
      %dma_wait3A = arith.constant 0 : i32
      %dma_wait3A_18 = arith.constant 0 : i32
      %dma_wait3A_19 = tpu.memref_slice %arg3[%arg1, %dma_wait3A, %dma_wait3A_18] : memref<16x157x128xi32, #tpu.memory_space<hbm>> -> memref<1x157x128xi32, #tpu.memory_space<hbm>>
      %dma_wait3A_20 = tpu.memref_squeeze %dma_wait3A_19 : memref<1x157x128xi32, #tpu.memory_space<hbm>> -> memref<157x128xi32, #tpu.memory_space<hbm>>
      %dma_wait3A_21 = arith.constant 0 : i32
      %dma_wait3A_22 = arith.constant 0 : i32
      %dma_wait3A_23 = tpu.memref_slice %arg3[%arg1, %dma_wait3A_21, %dma_wait3A_22] : memref<16x157x128xi32, #tpu.memory_space<hbm>> -> memref<1x157x128xi32, #tpu.memory_space<hbm>>
      %dma_wait3A_24 = tpu.memref_squeeze %dma_wait3A_23 : memref<1x157x128xi32, #tpu.memory_space<hbm>> -> memref<157x128xi32, #tpu.memory_space<hbm>>
      tpu.wait_dma2 semaphore(%run_scoped3A : memref<!tpu.dma_semaphore, #tpu.memory_space<semaphore_mem>>) src(%dma_wait3A_24 : memref<157x128xi32, #tpu.memory_space<hbm>>) dst(%arg6 : memref<157x128xi32, #tpu.memory_space<vmem>>)
      tpu.yield
    }) : () -> ()
    %barrier3A = arith.constant 0 : index
    tpu.barrier barrier_id(%barrier3A)
    %scan3A = arith.constant 0 : i32
    %scan3A_1 = arith.constant 0 : i32
    %scan3A_2 = arith.constant 157 : i32
    %scan3A_3 = arith.addi %scan3A_1, %scan3A_2 : i32
    %scan3A_4 = arith.constant 1 : i32
    scf.for %scan3A_11 = %scan3A_1 to %scan3A_3 step %scan3A_4  : i32 {
      %mul3A_12 = arith.constant 157 : i32
      %mul3A_13 = arith.muli %arg1, %mul3A_12 : i32
      %add3A = arith.addi %mul3A_13, %scan3A_11 : i32
      %mul3A_14 = arith.constant 128 : i32
      %mul3A_15 = arith.muli %add3A, %mul3A_14 : i32
      "tpu.region"() ({
        %run_scoped3A = tpu.sem_alloc : memref<!tpu.dma_semaphore, #tpu.memory_space<semaphore_mem>>
        %dma_start3A = arith.constant 0 : i32
        %dma_start3A_16 = tpu.memref_slice %arg2[%arg0, %mul3A_15, %dma_start3A] : memref<2x321536x128xf32, #tpu.memory_space<hbm>> -> memref<1x128x128xf32, #tpu.memory_space<hbm>>
        %dma_start3A_17 = tpu.memref_squeeze %dma_start3A_16 : memref<1x128x128xf32, #tpu.memory_space<hbm>> -> memref<128x128xf32, #tpu.memory_space<hbm>>
        %dma_start3A_18 = arith.constant 0 : i32
        %dma_start3A_19 = tpu.memref_slice %arg2[%arg0, %mul3A_15, %dma_start3A_18] : memref<2x321536x128xf32, #tpu.memory_space<hbm>> -> memref<1x128x128xf32, #tpu.memory_space<hbm>>
        %dma_start3A_20 = tpu.memref_squeeze %dma_start3A_19 : memref<1x128x128xf32, #tpu.memory_space<hbm>> -> memref<128x128xf32, #tpu.memory_space<hbm>>
        tpu.enqueue_dma source(%dma_start3A_20 : memref<128x128xf32, #tpu.memory_space<hbm>>) target(%arg7 : memref<128x128xf32, #tpu.memory_space<vmem>>) target_semaphore(%run_scoped3A : memref<!tpu.dma_semaphore, #tpu.memory_space<semaphore_mem>>)
        %dma_wait3A = arith.constant 0 : i32
        %dma_wait3A_21 = tpu.memref_slice %arg2[%arg0, %mul3A_15, %dma_wait3A] : memref<2x321536x128xf32, #tpu.memory_space<hbm>> -> memref<1x128x128xf32, #tpu.memory_space<hbm>>
        %dma_wait3A_22 = tpu.memref_squeeze %dma_wait3A_21 : memref<1x128x128xf32, #tpu.memory_space<hbm>> -> memref<128x128xf32, #tpu.memory_space<hbm>>
        %dma_wait3A_23 = arith.constant 0 : i32
        %dma_wait3A_24 = tpu.memref_slice %arg2[%arg0, %mul3A_15, %dma_wait3A_23] : memref<2x321536x128xf32, #tpu.memory_space<hbm>> -> memref<1x128x128xf32, #tpu.memory_space<hbm>>
        %dma_wait3A_25 = tpu.memref_squeeze %dma_wait3A_24 : memref<1x128x128xf32, #tpu.memory_space<hbm>> -> memref<128x128xf32, #tpu.memory_space<hbm>>
        tpu.wait_dma2 semaphore(%run_scoped3A : memref<!tpu.dma_semaphore, #tpu.memory_space<semaphore_mem>>) src(%dma_wait3A_25 : memref<128x128xf32, #tpu.memory_space<hbm>>) dst(%arg7 : memref<128x128xf32, #tpu.memory_space<vmem>>)
        tpu.yield
      }) : () -> ()
      "tpu.region"() ({
        %run_scoped3A = tpu.sem_alloc : memref<!tpu.dma_semaphore, #tpu.memory_space<semaphore_mem>>
        %dma_start3A = arith.constant 0 : i32
        %dma_start3A_16 = tpu.memref_slice %arg6[%scan3A_11, %dma_start3A] : memref<157x128xi32, #tpu.memory_space<vmem>> -> memref<1x128xi32, #tpu.memory_space<vmem>>
        %dma_start3A_17 = tpu.memref_squeeze %dma_start3A_16 : memref<1x128xi32, #tpu.memory_space<vmem>> -> memref<128xi32, #tpu.memory_space<vmem>>
        %dma_start3A_18 = arith.constant 0 : i32
        %dma_start3A_19 = arith.constant 0 : i32
        %dma_start3A_20 = tpu.memref_slice %arg8[%dma_start3A_18, %dma_start3A_19] : memref<10112x128xf32, #tpu.memory_space<vmem_shared>> -> memref<10112x128xf32, #tpu.memory_space<vmem_shared>>
        tpu.enqueue_indirect_dma source(%arg7 : memref<128x128xf32, #tpu.memory_space<vmem>>) target(%dma_start3A_20 : memref<10112x128xf32, #tpu.memory_space<vmem_shared>>) offsets(%dma_start3A_17 : memref<128xi32, #tpu.memory_space<vmem>>) semaphore(%run_scoped3A : memref<!tpu.dma_semaphore, #tpu.memory_space<semaphore_mem>>) {add = true}
        %dma_wait3A = arith.constant 0 : i32
        %dma_wait3A_21 = tpu.memref_slice %arg6[%scan3A_11, %dma_wait3A] : memref<157x128xi32, #tpu.memory_space<vmem>> -> memref<1x128xi32, #tpu.memory_space<vmem>>
        %dma_wait3A_22 = tpu.memref_squeeze %dma_wait3A_21 : memref<1x128xi32, #tpu.memory_space<vmem>> -> memref<128xi32, #tpu.memory_space<vmem>>
        %dma_wait3A_23 = arith.constant 0 : i32
        %dma_wait3A_24 = arith.constant 0 : i32
        %dma_wait3A_25 = tpu.memref_slice %arg8[%dma_wait3A_23, %dma_wait3A_24] : memref<10112x128xf32, #tpu.memory_space<vmem_shared>> -> memref<10112x128xf32, #tpu.memory_space<vmem_shared>>
        tpu.wait_indirect_dma semaphore(%run_scoped3A : memref<!tpu.dma_semaphore, #tpu.memory_space<semaphore_mem>>) src(%arg7 : memref<128x128xf32, #tpu.memory_space<vmem>>) dst(%dma_wait3A_25 : memref<10112x128xf32, #tpu.memory_space<vmem_shared>>)
        tpu.yield
      }) : () -> ()
    }
    %scan3A_5 = arith.constant 157 : i32
    %barrier3A_6 = arith.constant 0 : index
    tpu.barrier barrier_id(%barrier3A_6)
    %mul3A_7 = arith.constant 632 : i32
    %mul3A_8 = arith.muli %arg1, %mul3A_7 : i32
    %mul3A_9 = arith.constant 632 : i32
    %mul3A_10 = arith.muli %arg1, %mul3A_9 : i32
    "tpu.region"() ({
      %run_scoped3A = tpu.sem_alloc : memref<!tpu.dma_semaphore, #tpu.memory_space<semaphore_mem>>
      %dma_start3A = arith.constant 0 : i32
      %dma_start3A_11 = tpu.memref_slice %arg5[%arg0, %mul3A_10, %dma_start3A] : memref<2x10112x128xf32, #tpu.memory_space<hbm>> -> memref<1x632x128xf32, #tpu.memory_space<hbm>>
      %dma_start3A_12 = tpu.memref_squeeze %dma_start3A_11 : memref<1x632x128xf32, #tpu.memory_space<hbm>> -> memref<632x128xf32, #tpu.memory_space<hbm>>
      %dma_start3A_13 = arith.constant 0 : i32
      %dma_start3A_14 = tpu.memref_slice %arg8[%mul3A_8, %dma_start3A_13] : memref<10112x128xf32, #tpu.memory_space<vmem_shared>> -> memref<632x128xf32, #tpu.memory_space<vmem_shared>>
      tpu.enqueue_dma source(%dma_start3A_14 : memref<632x128xf32, #tpu.memory_space<vmem_shared>>) target(%dma_start3A_12 : memref<632x128xf32, #tpu.memory_space<hbm>>) target_semaphore(%run_scoped3A : memref<!tpu.dma_semaphore, #tpu.memory_space<semaphore_mem>>)
      %dma_wait3A = arith.constant 0 : i32
      %dma_wait3A_15 = tpu.memref_slice %arg5[%arg0, %mul3A_10, %dma_wait3A] : memref<2x10112x128xf32, #tpu.memory_space<hbm>> -> memref<1x632x128xf32, #tpu.memory_space<hbm>>
      %dma_wait3A_16 = tpu.memref_squeeze %dma_wait3A_15 : memref<1x632x128xf32, #tpu.memory_space<hbm>> -> memref<632x128xf32, #tpu.memory_space<hbm>>
      %dma_wait3A_17 = arith.constant 0 : i32
      %dma_wait3A_18 = tpu.memref_slice %arg8[%mul3A_8, %dma_wait3A_17] : memref<10112x128xf32, #tpu.memory_space<vmem_shared>> -> memref<632x128xf32, #tpu.memory_space<vmem_shared>>
      tpu.wait_dma2 semaphore(%run_scoped3A : memref<!tpu.dma_semaphore, #tpu.memory_space<semaphore_mem>>) src(%dma_wait3A_18 : memref<632x128xf32, #tpu.memory_space<vmem_shared>>) dst(%dma_wait3A_16 : memref<632x128xf32, #tpu.memory_space<hbm>>)
      tpu.yield
    }) : () -> ()
    return
  }
}

#map = affine_map<(d0, d1) -> (0, 0)>
#map1 = affine_map<(d0, d1) -> (0)>
module attributes {stable_mosaic.version = 14 : i64} {
  func.func @_k4(%arg0: i32, %arg1: i32, %arg2: memref<10112x128xf32, #tpu.memory_space<hbm>>, %arg3: memref<320000xi32, #tpu.memory_space<hbm>>, %arg4: memref<320000x128xf32, #tpu.memory_space<hbm>>, %arg5: memref<400xi32, #tpu.memory_space<vmem>>, %arg6: memref<400x128xf32, #tpu.memory_space<vmem>>, %arg7: memref<!tpu.dma_semaphore, #tpu.memory_space<semaphore_mem>>) attributes {dimension_semantics = [#tpu.dimension_semantics<core_parallel>, #tpu.dimension_semantics<subcore_parallel>], iteration_bounds = array<i64: 2, 16>, scalar_prefetch = 0 : i64, scratch_operands = 3 : i64, tpu.core_type = #tpu.core_type<sc_vector_subcore>, window_params = [{transform_indices = #map}, {transform_indices = #map1}, {transform_indices = #map}]} {
    %mul3A = arith.constant 2 : i32
    %mul3A_0 = arith.muli %arg1, %mul3A : i32
    %add3A = arith.addi %mul3A_0, %arg0 : i32
    %mul3A_1 = arith.constant 10000 : i32
    %mul3A_2 = arith.muli %add3A, %mul3A_1 : i32
    %scan3A = arith.constant 0 : i32
    %scan3A_3 = arith.constant 0 : i32
    %scan3A_4 = arith.constant 25 : i32
    %scan3A_5 = arith.addi %scan3A_3, %scan3A_4 : i32
    %scan3A_6 = arith.constant 1 : i32
    scf.for %scan3A_8 = %scan3A_3 to %scan3A_5 step %scan3A_6  : i32 {
      %mul3A_9 = arith.constant 400 : i32
      %mul3A_10 = arith.muli %scan3A_8, %mul3A_9 : i32
      %add3A_11 = arith.addi %mul3A_2, %mul3A_10 : i32
      "tpu.region"() ({
        %run_scoped3A = tpu.sem_alloc : memref<!tpu.dma_semaphore, #tpu.memory_space<semaphore_mem>>
        %dma_start3A_16 = tpu.memref_slice %arg3[%add3A_11] : memref<320000xi32, #tpu.memory_space<hbm>> -> memref<400xi32, #tpu.memory_space<hbm>>
        %dma_start3A_17 = tpu.memref_slice %arg3[%add3A_11] : memref<320000xi32, #tpu.memory_space<hbm>> -> memref<400xi32, #tpu.memory_space<hbm>>
        tpu.enqueue_dma source(%dma_start3A_17 : memref<400xi32, #tpu.memory_space<hbm>>) target(%arg5 : memref<400xi32, #tpu.memory_space<vmem>>) target_semaphore(%run_scoped3A : memref<!tpu.dma_semaphore, #tpu.memory_space<semaphore_mem>>)
        %dma_wait3A_18 = tpu.memref_slice %arg3[%add3A_11] : memref<320000xi32, #tpu.memory_space<hbm>> -> memref<400xi32, #tpu.memory_space<hbm>>
        %dma_wait3A_19 = tpu.memref_slice %arg3[%add3A_11] : memref<320000xi32, #tpu.memory_space<hbm>> -> memref<400xi32, #tpu.memory_space<hbm>>
        tpu.wait_dma2 semaphore(%run_scoped3A : memref<!tpu.dma_semaphore, #tpu.memory_space<semaphore_mem>>) src(%dma_wait3A_19 : memref<400xi32, #tpu.memory_space<hbm>>) dst(%arg5 : memref<400xi32, #tpu.memory_space<vmem>>)
        tpu.yield
      }) : () -> ()
      %dma_start3A = arith.constant 0 : i32
      %dma_start3A_12 = arith.constant 0 : i32
      %dma_start3A_13 = tpu.memref_slice %arg2[%dma_start3A, %dma_start3A_12] : memref<10112x128xf32, #tpu.memory_space<hbm>> -> memref<10112x128xf32, #tpu.memory_space<hbm>>
      tpu.enqueue_indirect_dma source(%dma_start3A_13 : memref<10112x128xf32, #tpu.memory_space<hbm>>) target(%arg6 : memref<400x128xf32, #tpu.memory_space<vmem>>) offsets(%arg5 : memref<400xi32, #tpu.memory_space<vmem>>) semaphore(%arg7 : memref<!tpu.dma_semaphore, #tpu.memory_space<semaphore_mem>>)
      %dma_wait3A = arith.constant 0 : i32
      %dma_wait3A_14 = arith.constant 0 : i32
      %dma_wait3A_15 = tpu.memref_slice %arg2[%dma_wait3A, %dma_wait3A_14] : memref<10112x128xf32, #tpu.memory_space<hbm>> -> memref<10112x128xf32, #tpu.memory_space<hbm>>
      tpu.wait_indirect_dma semaphore(%arg7 : memref<!tpu.dma_semaphore, #tpu.memory_space<semaphore_mem>>) src(%dma_wait3A_15 : memref<10112x128xf32, #tpu.memory_space<hbm>>) dst(%arg6 : memref<400x128xf32, #tpu.memory_space<vmem>>)
      "tpu.region"() ({
        %run_scoped3A = tpu.sem_alloc : memref<!tpu.dma_semaphore, #tpu.memory_space<semaphore_mem>>
        %dma_start3A_16 = arith.constant 0 : i32
        %dma_start3A_17 = tpu.memref_slice %arg4[%add3A_11, %dma_start3A_16] : memref<320000x128xf32, #tpu.memory_space<hbm>> -> memref<400x128xf32, #tpu.memory_space<hbm>>
        %dma_start3A_18 = arith.constant 0 : i32
        %dma_start3A_19 = tpu.memref_slice %arg4[%add3A_11, %dma_start3A_18] : memref<320000x128xf32, #tpu.memory_space<hbm>> -> memref<400x128xf32, #tpu.memory_space<hbm>>
        tpu.enqueue_dma source(%arg6 : memref<400x128xf32, #tpu.memory_space<vmem>>) target(%dma_start3A_19 : memref<400x128xf32, #tpu.memory_space<hbm>>) target_semaphore(%run_scoped3A : memref<!tpu.dma_semaphore, #tpu.memory_space<semaphore_mem>>)
        %dma_wait3A_20 = arith.constant 0 : i32
        %dma_wait3A_21 = tpu.memref_slice %arg4[%add3A_11, %dma_wait3A_20] : memref<320000x128xf32, #tpu.memory_space<hbm>> -> memref<400x128xf32, #tpu.memory_space<hbm>>
        %dma_wait3A_22 = arith.constant 0 : i32
        %dma_wait3A_23 = tpu.memref_slice %arg4[%add3A_11, %dma_wait3A_22] : memref<320000x128xf32, #tpu.memory_space<hbm>> -> memref<400x128xf32, #tpu.memory_space<hbm>>
        tpu.wait_dma2 semaphore(%run_scoped3A : memref<!tpu.dma_semaphore, #tpu.memory_space<semaphore_mem>>) src(%arg6 : memref<400x128xf32, #tpu.memory_space<vmem>>) dst(%dma_wait3A_23 : memref<400x128xf32, #tpu.memory_space<hbm>>)
        tpu.yield
      }) : () -> ()
    }
    %scan3A_7 = arith.constant 25 : i32
    return
  }
}

module attributes {stable_mosaic.version = 14 : i64} {
  func.func @_k1_body(%arg0: i32, %arg1: memref<2048x128xf32, #tpu.memory_space<vmem>>, %arg2: memref<128x128xf32, #tpu.memory_space<vmem>>, %arg3: memref<1x128xf32, #tpu.memory_space<vmem>>, %arg4: memref<128x128xf32, #tpu.memory_space<vmem>>, %arg5: memref<1x128xf32, #tpu.memory_space<vmem>>, %arg6: memref<2x2048x128xf32, #tpu.memory_space<vmem>>) attributes {dimension_semantics = [#tpu.dimension_semantics<arbitrary>], iteration_bounds = array<i64: 157>, scalar_prefetch = 0 : i64, scratch_operands = 0 : i64, tpu.core_type = #tpu.core_type<tc>, window_params = [{transform_indices = @transform_0, window_bounds = array<i64: 2048, 128>}, {pipeline_mode = #tpu.pipeline_mode<synchronous>, transform_indices = @transform_1, window_bounds = array<i64: 128, 128>}, {pipeline_mode = #tpu.pipeline_mode<synchronous>, transform_indices = @transform_2, window_bounds = array<i64: 1, 128>}, {pipeline_mode = #tpu.pipeline_mode<synchronous>, transform_indices = @transform_3, window_bounds = array<i64: 128, 128>}, {pipeline_mode = #tpu.pipeline_mode<synchronous>, transform_indices = @transform_4, window_bounds = array<i64: 1, 128>}, {transform_indices = @transform_5, window_bounds = array<i64: 2, 2048, 128>}]} {
    %get3A = arith.constant 0 : index
    %get3A_0 = arith.constant 0 : index
    %get3A_1 = vector.load %arg1[%get3A, %get3A_0] : memref<2048x128xf32, #tpu.memory_space<vmem>>, vector<2048x128xf32>
    %get3A_2 = arith.constant 0 : index
    %get3A_3 = arith.constant 0 : index
    %get3A_4 = vector.load %arg2[%get3A_2, %get3A_3] : memref<128x128xf32, #tpu.memory_space<vmem>>, vector<128x128xf32>
    %dot_general3A = arith.constant dense<0.000000e+00> : vector<2048x128xf32>
    %dot_general3A_5 = tpu.matmul %get3A_1, %get3A_4, %dot_general3A {dimension_numbers = #tpu.dot_dimension_numbers<[1], [0], [0], [1], [0, 0, 1, 1], [], []>, transpose_lhs_hint = false} : vector<2048x128xf32>, vector<128x128xf32>, vector<2048x128xf32> -> vector<2048x128xf32>
    %get3A_6 = arith.constant 0 : index
    %get3A_7 = arith.constant 0 : index
    %get3A_8 = vector.load %arg3[%get3A_6, %get3A_7] : memref<1x128xf32, #tpu.memory_space<vmem>>, vector<1x128xf32>
    %add3A = vector.broadcast %get3A_8 : vector<1x128xf32> to vector<2048x128xf32>
    %add3A_9 = arith.addf %dot_general3A_5, %add3A : vector<2048x128xf32>
    %get3A_10 = arith.constant 0 : index
    %get3A_11 = arith.constant 0 : index
    %get3A_12 = vector.load %arg4[%get3A_10, %get3A_11] : memref<128x128xf32, #tpu.memory_space<vmem>>, vector<128x128xf32>
    %dot_general3A_13 = arith.constant dense<0.000000e+00> : vector<2048x128xf32>
    %dot_general3A_14 = tpu.matmul %get3A_1, %get3A_12, %dot_general3A_13 {dimension_numbers = #tpu.dot_dimension_numbers<[1], [0], [0], [1], [0, 0, 1, 1], [], []>, transpose_lhs_hint = false} : vector<2048x128xf32>, vector<128x128xf32>, vector<2048x128xf32> -> vector<2048x128xf32>
    %get3A_15 = arith.constant 0 : index
    %get3A_16 = arith.constant 0 : index
    %get3A_17 = vector.load %arg5[%get3A_15, %get3A_16] : memref<1x128xf32, #tpu.memory_space<vmem>>, vector<1x128xf32>
    %add3A_18 = vector.broadcast %get3A_17 : vector<1x128xf32> to vector<2048x128xf32>
    %add3A_19 = arith.addf %dot_general3A_14, %add3A_18 : vector<2048x128xf32>
    %jit3A = arith.constant -5.000000e+01 : f32
    %jit3A_20 = arith.constant 5.000000e+01 : f32
    %max3A = vector.broadcast %jit3A : f32 to vector<2048x128xf32>
    %max3A_21 = arith.maximumf %max3A, %add3A_19 : vector<2048x128xf32>
    %min3A = vector.broadcast %jit3A_20 : f32 to vector<2048x128xf32>
    %min3A_22 = arith.minimumf %min3A, %max3A_21 : vector<2048x128xf32>
    %exp3A = math.exp %min3A_22 : vector<2048x128xf32>
    %mul3A = arith.mulf %add3A_9, %exp3A : vector<2048x128xf32>
    %swap3A = arith.constant 0 : index
    %swap3A_23 = arith.constant 0 : index
    %swap3A_24 = arith.constant 0 : index
    %swap3A_25 = vector.load %arg6[%swap3A, %swap3A_23, %swap3A_24] : memref<2x2048x128xf32, #tpu.memory_space<vmem>>, vector<1x2048x128xf32>
    %swap3A_26 = vector.shape_cast %swap3A_25 : vector<1x2048x128xf32> to vector<2048x128xf32>
    %swap3A_27 = vector.shape_cast %mul3A : vector<2048x128xf32> to vector<1x2048x128xf32>
    tpu.vector_store %arg6[%swap3A, %swap3A_23, %swap3A_24], %swap3A_27 {strides = array<i32>} : memref<2x2048x128xf32, #tpu.memory_space<vmem>>, vector<1x2048x128xf32>,
    %swap3A_28 = arith.constant 1 : index
    %swap3A_29 = arith.constant 0 : index
    %swap3A_30 = arith.constant 0 : index
    %swap3A_31 = vector.load %arg6[%swap3A_28, %swap3A_29, %swap3A_30] : memref<2x2048x128xf32, #tpu.memory_space<vmem>>, vector<1x2048x128xf32>
    %swap3A_32 = vector.shape_cast %swap3A_31 : vector<1x2048x128xf32> to vector<2048x128xf32>
    %swap3A_33 = vector.shape_cast %exp3A : vector<2048x128xf32> to vector<1x2048x128xf32>
    tpu.vector_store %arg6[%swap3A_28, %swap3A_29, %swap3A_30], %swap3A_33 {strides = array<i32>} : memref<2x2048x128xf32, #tpu.memory_space<vmem>>, vector<1x2048x128xf32>,
    return
  }
  func.func @transform_0(%arg0: i32) -> (i32, i32) {
    %c0_i32 = arith.constant 0 : i32
    %c0_i32_0 = arith.constant 0 : i32
    return %arg0, %c0_i32 : i32, i32
  }
  func.func @transform_1(%arg0: i32) -> (i32, i32) {
    %c0_i32 = arith.constant 0 : i32
    %c0_i32_0 = arith.constant 0 : i32
    %c0_i32_1 = arith.constant 0 : i32
    return %c0_i32, %c0_i32_0 : i32, i32
  }
  func.func @transform_2(%arg0: i32) -> (i32, i32) {
    %c0_i32 = arith.constant 0 : i32
    %c0_i32_0 = arith.constant 0 : i32
    %c0_i32_1 = arith.constant 0 : i32
    return %c0_i32, %c0_i32_0 : i32, i32
  }
  func.func @transform_3(%arg0: i32) -> (i32, i32) {
    %c0_i32 = arith.constant 0 : i32
    %c0_i32_0 = arith.constant 0 : i32
    %c0_i32_1 = arith.constant 0 : i32
    return %c0_i32, %c0_i32_0 : i32, i32
  }
  func.func @transform_4(%arg0: i32) -> (i32, i32) {
    %c0_i32 = arith.constant 0 : i32
    %c0_i32_0 = arith.constant 0 : i32
    %c0_i32_1 = arith.constant 0 : i32
    return %c0_i32, %c0_i32_0 : i32, i32
  }
  func.func @transform_5(%arg0: i32) -> (i32, i32, i32) {
    %c0_i32 = arith.constant 0 : i32
    %c0_i32_0 = arith.constant 0 : i32
    %c0_i32_1 = arith.constant 0 : i32
    return %c0_i32, %arg0, %c0_i32_0 : i32, i32, i32
  }
}

module attributes {stable_mosaic.version = 14 : i64} {
  func.func @_k3_body(%arg0: i32, %arg1: memref<1x1264x128xf32, #tpu.memory_space<vmem>>, %arg2: memref<1x1264x128xf32, #tpu.memory_space<vmem>>, %arg3: memref<128x128xf32, #tpu.memory_space<vmem>>, %arg4: memref<1x128xf32, #tpu.memory_space<vmem>>, %arg5: memref<1264x128xf32, #tpu.memory_space<vmem>>) attributes {dimension_semantics = [#tpu.dimension_semantics<arbitrary>], iteration_bounds = array<i64: 8>, scalar_prefetch = 0 : i64, scratch_operands = 0 : i64, tpu.core_type = #tpu.core_type<tc>, window_params = [{transform_indices = @transform_0, window_bounds = array<i64: 1, 1264, 128>}, {transform_indices = @transform_1, window_bounds = array<i64: 1, 1264, 128>}, {pipeline_mode = #tpu.pipeline_mode<synchronous>, transform_indices = @transform_2, window_bounds = array<i64: 128, 128>}, {pipeline_mode = #tpu.pipeline_mode<synchronous>, transform_indices = @transform_3, window_bounds = array<i64: 1, 128>}, {transform_indices = @transform_4, window_bounds = array<i64: 1264, 128>}]} {
    %get3A = arith.constant 0 : index
    %get3A_0 = arith.constant 0 : index
    %get3A_1 = arith.constant 0 : index
    %get3A_2 = vector.load %arg1[%get3A, %get3A_0, %get3A_1] : memref<1x1264x128xf32, #tpu.memory_space<vmem>>, vector<1x1264x128xf32>
    %get3A_3 = vector.shape_cast %get3A_2 : vector<1x1264x128xf32> to vector<1264x128xf32>
    %get3A_4 = arith.constant 0 : index
    %get3A_5 = arith.constant 0 : index
    %get3A_6 = arith.constant 0 : index
    %get3A_7 = vector.load %arg2[%get3A_4, %get3A_5, %get3A_6] : memref<1x1264x128xf32, #tpu.memory_space<vmem>>, vector<1x1264x128xf32>
    %get3A_8 = vector.shape_cast %get3A_7 : vector<1x1264x128xf32> to vector<1264x128xf32>
    %div3A = arith.divf %get3A_3, %get3A_8 : vector<1264x128xf32>
    %get3A_9 = arith.constant 0 : index
    %get3A_10 = arith.constant 0 : index
    %get3A_11 = vector.load %arg3[%get3A_9, %get3A_10] : memref<128x128xf32, #tpu.memory_space<vmem>>, vector<128x128xf32>
    %dot_general3A = arith.constant dense<0.000000e+00> : vector<1264x128xf32>
    %dot_general3A_12 = tpu.matmul %div3A, %get3A_11, %dot_general3A {dimension_numbers = #tpu.dot_dimension_numbers<[1], [0], [0], [1], [0, 0, 1, 1], [], []>, transpose_lhs_hint = false} : vector<1264x128xf32>, vector<128x128xf32>, vector<1264x128xf32> -> vector<1264x128xf32>
    %get3A_13 = arith.constant 0 : index
    %get3A_14 = arith.constant 0 : index
    %get3A_15 = vector.load %arg4[%get3A_13, %get3A_14] : memref<1x128xf32, #tpu.memory_space<vmem>>, vector<1x128xf32>
    %add3A = vector.broadcast %get3A_15 : vector<1x128xf32> to vector<1264x128xf32>
    %add3A_16 = arith.addf %dot_general3A_12, %add3A : vector<1264x128xf32>
    %swap3A = arith.constant 0 : index
    %swap3A_17 = arith.constant 0 : index
    %swap3A_18 = vector.load %arg5[%swap3A, %swap3A_17] : memref<1264x128xf32, #tpu.memory_space<vmem>>, vector<1264x128xf32>
    tpu.vector_store %arg5[%swap3A, %swap3A_17], %add3A_16 {strides = array<i32>} : memref<1264x128xf32, #tpu.memory_space<vmem>>, vector<1264x128xf32>,
    return
  }
  func.func @transform_0(%arg0: i32) -> (i32, i32, i32) {
    %c0_i32 = arith.constant 0 : i32
    %c0_i32_0 = arith.constant 0 : i32
    %c0_i32_1 = arith.constant 0 : i32
    return %c0_i32, %arg0, %c0_i32_0 : i32, i32, i32
  }
  func.func @transform_1(%arg0: i32) -> (i32, i32, i32) {
    %c1_i32 = arith.constant 1 : i32
    %c0_i32 = arith.constant 0 : i32
    %c0_i32_0 = arith.constant 0 : i32
    return %c1_i32, %arg0, %c0_i32 : i32, i32, i32
  }
  func.func @transform_2(%arg0: i32) -> (i32, i32) {
    %c0_i32 = arith.constant 0 : i32
    %c0_i32_0 = arith.constant 0 : i32
    %c0_i32_1 = arith.constant 0 : i32
    return %c0_i32, %c0_i32_0 : i32, i32
  }
  func.func @transform_3(%arg0: i32) -> (i32, i32) {
    %c0_i32 = arith.constant 0 : i32
    %c0_i32_0 = arith.constant 0 : i32
    %c0_i32_1 = arith.constant 0 : i32
    return %c0_i32, %c0_i32_0 : i32, i32
  }
  func.func @transform_4(%arg0: i32) -> (i32, i32) {
    %c0_i32 = arith.constant 0 : i32
    %c0_i32_0 = arith.constant 0 : i32
    return %arg0, %c0_i32 : i32, i32
  }
}

</mosaic_0001>

<sc_bundles>
// kernel: kernel.6.cloned.1.call-start
scs
__scs_entry_jumppad:
0x0: {  	(pc) =	sbr.rel $0x88, $3  }
0x1: {  	(tag) =	ssettag $0x0;
	lr =	simm.s32 $0x1  }
0x2: {  	[smem:$0x3F99] =	sst lr;
	_ =	strace $0xD0000000  }
0x3: {  	_ = 	snop  }
0x4: {  	_ = 	snop  }
0x5: {  	_ = 	snop  }
0x6: {  	_ = 	snop  }
0x7: {  	_ = 	snop  }
__scs_overlays_trampoline_lowered:
0x8: {  	[smem:$0x3FA8] =	sst s0  }
0x9: {  	[smem:$0x3FA9] =	sst s1  }
0xa: {  	[smem:$0x3FAA] =	sst s2  }
0xb: {  	[smem:$0x3FAB] =	sst s3  }
0xc: {  	[smem:$0x3FAC] =	sst s4  }
0xd: {  	[smem:$0x3FAD] =	sst s5  }
0xe: {  	[smem:$0x3FAE] =	sst s6  }
0xf: {  	[smem:$0x3FAF] =	sst s7  }
0x10: {  	[smem:$0x3FB0] =	sst s8  }
0x11: {  	[smem:$0x3FB1] =	sst s9;
	s0 =	simm.s32 @!p0 $0x0  }
0x12: {  	s1 =	sld [smem:$0x3F97];
	s0 =	simm.s32 @p0 $0x1  }
0x13: {  	[smem:$0x3FB2] =	sst s0;
	s0 =	simm.s32 @!p1 $0x0  }
0x14: {  	s2 =	sld [smem:$0x3F96];
	s0 =	simm.s32 @p1 $0x1  }
0x15: {  	[smem:$0x3FB3] =	sst s0;
	s0 =	simm.s32 @!p2 $0x0  }
0x16: {  	s3 =	sld [smem:$0x3FDB];
	s0 =	simm.s32 @p2 $0x1  }
0x17: {  	s4 =	simm.s32 $0x1BF5;
	[smem:$0x3FB5] =	sst s0  }
0x18: {  	s0 =	sld [smem:$0x3F98];
	_ =	swait.ge [sflag:s4], $0x0  }
0x19: {  	s7 =	sld [smem:$0x3F99]  }
0x1a: {  	s8 =	sadd.s32 $0xFFFFE003, lr  }
0x1b: {  	s9 =	sadd.s32 $0xFFFFFEF7, lr;
	s5 =	simm.s32 $0xFFFFFFFF;
	p2 =	slt.u32 s8, $0xFFFFF086  }
0x1c: {  	p1 =	slt.u32 s9, $0xF7A;
	s5 =	simm.s32 @!p2 $0x0  }
0x1d: {  	s5 =	simm.s32 @p1 $0x1;
	p0 =	seq.s32 s7, s2  }
0x1e: {  	s7 =	smul.u32 @!p0 $0xF7A, s2;
	p2 =	seq.s32 @!p0 s5, $0x0  }
0x1f: {  	s9 =	smul.u32 $0xF7A, s1;
	s8 =	simm.s32 @!p0 $0x1BF5;
	p2 =	por !p2, p0  }
0x20: {  	[sflag:s8] =	ssyncset.s32 @!p0 $0xFFFFF086;
	s6 =	sadd.s32 @!p0 s3, s7;
	s7 =	simm.s32 @!p0 $0x108  }
0x21: {  	s3 =	sadd.s32 s3, s9;
	s6 =	sadd.s32 @!p0 $0x88, s6;
	s7 =	simm.s32 @p2 $0x1082  }
0x22: {  	[simem:s7], [sflag:s8] =	dma.local @!p0 [hbm:s6], $0xF7A  }
0x23: {  	s9 =	sor.u32 $0xD0000000, s2;
	s6 =	simm.s32 $0x108;
	_ =	swait.ge @!p0 [sflag:s8], $0x0  }
0x24: {  	s3 =	sadd.s32 $0x88, s3;
	s6 =	simm.s32 @!p1 $0x1082;
	[sflag:s4] =	ssyncset.s32 $0xFFFFF086  }
0x25: {  	[simem:s6], [sflag:s4] =	dma.local [hbm:s3], $0xF7A  }
0x26: {  	[smem:$0x3F99] =	sst s1;
	(tag) =	ssettag s2;
	_ =	strace s9  }
0x27: {  	s1 =	sld [smem:$0x3FA9]  }
0x28: {  	s2 =	sld [smem:$0x3FAA]  }
0x29: {  	s4 =	sld [smem:$0x3FAC]  }
0x2a: {  	p0 =	seq.s32 s5, $0x0;
	s5 =	sld [smem:$0x3FAD]  }
0x2b: {  	s6 =	sld [smem:$0x3FAE]  }
0x2c: {  	s7 =	sld [smem:$0x3FAF]  }
0x2d: {  	s3 =	simm.s32 $0x108;
	s8 =	sld [smem:$0x3FB0]  }
0x2e: {  	s3 =	simm.s32 @!p0 $0x1082;
	s9 =	sld [smem:$0x3FB1]  }
0x2f: {  	lr =	sadd.s32 s0, s3;
	s0 =	sld [smem:$0x3FA8]  }
0x30: {  	s3 =	sld [smem:$0x3FAB]  }
0x31: {  	[smem:$0x3FB4] =	sst s10  }
0x32: {  	s10 =	sld [smem:$0x3FB2];
	_ =	sdelay $0x3  }
0x33: {  	p0 =	seq.s32 s10, $0x1;
	s10 =	sld [smem:$0x3FB4];
	_ =	sdelay $0x3  }
0x34: {  	[smem:$0x3FB4] =	sst s10  }
0x35: {  	s10 =	sld [smem:$0x3FB3];
	_ =	sdelay $0x3  }
0x36: {  	p1 =	seq.s32 s10, $0x1;
	s10 =	sld [smem:$0x3FB4];
	_ =	sdelay $0x3  }
0x37: {  	[smem:$0x3FB4] =	sst s10  }
0x38: {  	s10 =	sld [smem:$0x3FB5]  }
0x39: {  	_ = 	snop;
	(pc) =	sbr.ind lr, $3  }
0x3a: {  	_ = 	snop  }
0x3b: {  	_ = 	snop  }
0x3c: {  	p2 =	seq.s32 s10, $0x1;
	s10 =	sld [smem:$0x3FB4]  }
0x3d: {  	_ =	shalt  }
0x3e: {  	_ =	shalt  }
0x3f: {  	_ =	shalt  }
0x40: {  	_ =	shalt  }
0x41: {  	_ =	shalt  }
0x42: {  	_ =	shalt  }
0x43: {  	_ =	shalt  }
0x44: {  	_ =	shalt  }
0x45: {  	_ =	shalt  }
0x46: {  	_ =	shalt  }
0x47: {  	_ =	shalt  }
0x48: {  	_ =	shalt  }
0x49: {  	_ =	shalt  }
0x4a: {  	_ =	shalt  }
0x4b: {  	_ =	shalt  }
0x4c: {  	_ =	shalt  }
0x4d: {  	_ =	shalt  }
0x4e: {  	_ =	shalt  }
0x4f: {  	_ =	shalt  }
0x50: {  	_ =	shalt  }
0x51: {  	_ =	shalt  }
0x52: {  	_ =	shalt  }
0x53: {  	_ =	shalt  }
0x54: {  	_ =	shalt  }
0x55: {  	_ =	shalt  }
0x56: {  	_ =	shalt  }
0x57: {  	_ =	shalt  }
0x58: {  	_ =	shalt  }
0x59: {  	_ =	shalt  }
0x5a: {  	_ =	shalt  }
0x5b: {  	_ =	shalt  }
0x5c: {  	_ =	shalt  }
0x5d: {  	_ =	shalt  }
0x5e: {  	_ =	shalt  }
0x5f: {  	_ =	shalt  }
0x60: {  	_ =	shalt  }
0x61: {  	_ =	shalt  }
0x62: {  	_ =	shalt  }
0x63: {  	_ =	shalt  }
0x64: {  	_ =	shalt  }
0x65: {  	_ =	shalt  }
0x66: {  	_ =	shalt  }
0x67: {  	_ =	shalt  }
0x68: {  	_ =	shalt  }
0x69: {  	_ =	shalt  }
0x6a: {  	_ =	shalt  }
0x6b: {  	_ =	shalt  }
0x6c: {  	_ =	shalt  }
0x6d: {  	_ =	shalt  }
0x6e: {  	_ =	shalt  }
0x6f: {  	_ =	shalt  }
0x70: {  	_ =	shalt  }
0x71: {  	_ =	shalt  }
0x72: {  	_ =	shalt  }
0x73: {  	_ =	shalt  }
0x74: {  	_ =	shalt  }
0x75: {  	_ =	shalt  }
0x76: {  	_ =	shalt  }
0x77: {  	_ =	shalt  }
0x78: {  	_ =	shalt  }
0x79: {  	_ =	shalt  }
0x7a: {  	_ =	shalt  }
0x7b: {  	_ =	shalt  }
0x7c: {  	_ =	shalt  }
0x7d: {  	_ =	shalt  }
0x7e: {  	_ =	shalt  }
0x7f: {  	_ =	shalt  }
0x80: {  	_ =	shalt  }
0x81: {  	_ =	shalt  }
0x82: {  	_ =	shalt  }
0x83: {  	_ =	shalt  }
0x84: {  	_ =	shalt  }
0x85: {  	_ =	shalt  }
0x86: {  	_ =	shalt  }
0x87: {  	_ =	shalt  }
.Lfunc_end0:
.L_simem_size_0:
called_computation_lowered:
.L_overlay_start_0:
0x88: {  	s2 =	sld [smem:$0x3FD9]  }
0x89: {  	s3 =	sld [smem:$0x3FFE];
	_ =	sdelay $0x1  }
0x8a: {  	s1 =	srdreg.scid  }
0x8b: {  	s0 =	sand.u32 $0x1, s1  }
0x8c: {  	s17 =	sshll.u32 s0, $0xA;
	s2 =	sadd.s32 s3, s2  }
0x8d: {  	s2 =	sadd.s32 s2, s17  }
0x8e: {  	[smem:$0x3FC0] =	sst s2  }
0x8f: {  	_ = 	snop  }
0x90: {  	s2 =	sld [smem:$0x3FD0];
	(tm) =	ssettm $0x1  }
0x91: {  	s18 =	sld [smem:$0x3FFB];
	_ =	sdelay $0x3  }
0x92: {  	_ =	strace s18  }
0x93: {  	s3 =	sld [smem:$0x3FFC];
	_ =	sdelay $0x3  }
0x94: {  	_ =	strace s3  }
0x95: {  	s3 =	sld [smem:$0x3FFD];
	_ =	sdelay $0x3  }
0x96: {  	_ =	strace s3  }
0x97: {  	_ =	strace $0x8FFFFFFF  }
0x98: {  	s19 =	sld [smem:$0x3FDB];
	_ =	sdelay $0x1  }
0x99: {  	s4 =	simm.s32 $_scs_section_size  }
0x9a: {  	s5 =	simm.s32 $_size__tile_overlayer_lowered;
	s6 =	simm.s32 $_tile_overlayer_lowered  }
0x9b: {  	s22 =	simm.s32 $0x1BFF;
	s21 =	sshll.u32 s6, $0x1;
	s3 =	sadd.s32 s4, s19  }
0x9c: {  	s7 =	simm.s32 $0x0;
	s20 =	sshll.u32 s5, $0x1;
	s5 =	sadd.s32 s21, s3  }
0x9d: {  	[timem:s7], [sflag:s22] =	dma.local [hbm:s5], s20  }
0x9e: {  	_ =	swait.ge [sflag:s22], s20  }
0x9f: {  	s4 =	ssub.s32 $0x0, s20;
	[sflag:s22] =	ssyncset.done $0x0  }
0xa0: {  	[sflag:s22] =	ssyncadd.s32 s4;
	_ =	sdelay $0x1  }
0xa1: {  	s23 =	simm.s32 $0x1B8B  }
0xa2: {  	_ =	swait.ge [sflag:s23], $0x1  }
0xa3: {  	[sflag:s23] =	ssyncset.done $0x0  }
0xa4: {  	s25 =	simm.s32 $0x1B8E;
	s24 =	sld [smem:$0x3FFE];
	[sflag:s23] =	ssyncadd.s32 $0xFFFFFFFF  }
0xa5: {  	s26 =	simm.s32 $execute0_lowered;
	[smem:$0x3FD2] =	sst s25  }
0xa6: {  	s5 =	sshll.u32 s26, $0x1;
	_ =	strace $0x80000046;
	[dreg:$0x1] =	wrdreg $0xFFFFFFFF  }
0xa7: {  	s28 =	simm.s32 $_size_execute0_lowered;
	s3 =	sadd.s32 s3, s5;
	[dreg:$0x0] =	wrdreg $0x0  }
0xa8: {  	s5 =	sshll.u32 s28, $0x1;
	[dreg:$0x2] =	wrdreg s3  }
0xa9: {  	[dreg:$0x3] =	wrdreg s5  }
0xaa: {  	[dreg:$0x4] =	wrdreg $0xC0  }
0xab: {  	_ =	task [dreg:s7], $0x5FFFF  }
0xac: {  	[dreg:$0x1] =	wrdreg $0xFFFFFFFF  }
0xad: {  	[dreg:$0x0] =	wrdreg $0x60  }
0xae: {  	[dreg:$0x2] =	wrdreg s24  }
0xaf: {  	[dreg:$0x3] =	wrdreg s2  }
0xb0: {  	[dreg:$0x4] =	wrdreg $0x90000  }
0xb1: {  	[dreg:$0x5] =	wrdreg $0x9  }
0xb2: {  	_ =	task.clear_ibuf [dreg:s7], $0x6FFFF;
	_ =	strace $0x90000046  }
0xb3: {  	s29 =	simm.s32 $0x9;
	_ =	strace $0x80000048  }
0xb4: {  	_ =	swait.ge [sflag:s29], $0x1  }
0xb5: {  	[sflag:s29] =	ssyncadd.s32 $0xFFFFFFFF  }
0xb6: {  	_ =	strace $0x90000048  }
0xb7: {  	_ =	sfence  }
0xb8: {  	s30 =	sld [smem:$0x0];
	_ =	sdelay $0x2  }
0xb9: {  	s31 =	sshll.u32 s1, $0xD;
	s1 =	sshrl.u32 s1, $0x2  }
0xba: {  	s3 =	sand.u32 $0x4000, s31;
	s1 =	sadd.s32 s1, s30  }
0xbb: {  	s0 =	sor.u32 s3, s0;
	s1 =	sshll.u32 s1, $0x11  }
0xbc: {  	s0 =	sor.u32 s1, s0  }
0xbd: {  	s0 =	sadd.s32 $0x8F2B, s0  }
0xbe: {  	[sflag:s0] =	ssyncadd.remote.s32 $0x1  }
0xbf: {  	_ =	sfence.sel $0xFFFF  }
0xc0: {  	[dreg:$0x0] =	wrdreg $0xFFFFFFFF;
	(pc) =	sbr.abs _section_cstart, $3  }
0xc1: {  	[dreg:$0x1] =	wrdreg $0xFFFFFFFF  }
0xc2: {  	_ =	task.clear_ibuf [dreg:s7], $0x2FFFF;
	_ =	strace $0x9FFFFFFF  }
0xc3: {  	(tm) =	ssettm $0x7FFFFFFF  }
tec
execute0_lowered:
.L_overlay_start_1:
0x0: {  	(tag) =	ssettag $0x1  }
0x1: {  	s4 =	rddreg [dreg:$0x0]  }
0x2: {  	s7 =	rddreg [dreg:$0x1]  }
0x3: {  	s0 =	srdreg.scid;
	s1 =	stileid.u32  }
0x4: {  	s2 =	rddreg [dreg:$0x2];
	s8 =	smul.u32 $0x274000, s1  }
0x5: {  	s3 =	simm.s32 $0x0;
	s14 =	simm.s32 $0x0;
	s9 =	smul.u32 $0xA00, s1  }
0x6: {  	s5 =	sand.u32 $0x1, s0;
	s0 =	rddreg [dreg:$0x3];
	s26 =	smul.u32 $0x4F000, s1  }
0x7: {  	[smem:$0x7FF] =	sst s3;
	s12 =	smul.u32 $0x13C00, s1;
	s30 =	sshll.u32 s1, $0x6  }
0x8: {  	s6 =	smul.u32 $0x2740000, s5;
	_ =	strace $0x80000047;
	s10 =	ssub.s32 $0x2, s5  }
0x9: {  	s5 =	smul.u32 $0x13C000, s5;
	s28 =	sshrl.u32 s10, $0x1;
	s9 =	sadd.s32 s9, s4  }
0xa: {  	s29 =	sshrl.u32 s26, $0x2;
	s6 =	sadd.s32 s8, s6;
	s10 =	ssub.s32 s10, s28  }
0xb: {  	s12 =	sadd.s32 s12, s5;
	s13 =	sadd.s32 s29, s2;
	s5 =	sor.u32 $0x1C01, s30  }
0xc: {  	s6 =	sshrl.u32 s6, $0x3;
	s31 =	sshrl.u32 s12, $0x3;
	s8 =	smax.u32 s10, $0x1  }
0xd: {  	s10 =	sshrl.u32 s13, $0x3;
	s12 =	simm.s32 $0x5000;
	s13 =	simm.s32 $0x80  }
0xe: {  	s11 =	sadd.s32 s6, s4;
	s4 =	sadd.s32 $0x9DB400, s4;
	s6 =	sadd.s32 $0x1400, s9  }
0xf: {  	s7 =	sadd.s32 s7, s31;
	s9 =	sadd.s32 $0xB400, s11;
	s11 =	simm.s32 $0x1  }
.LBB2_1:
0x10: {  	[spmem:s10], [sflag:s5] =	dma.local [hbm:s4], $0x2780  }
0x11: {  	_ =	swait.ge [sflag:s11], $0x2780  }
0x12: {  	[sflag:s11] =	ssyncset.done $0x0  }
0x13: {  	[sflag:s11] =	ssyncadd.s32 $0xFFFFD880  }
0x14: {  	[tilespmem:s3], [sflag:$0x1] =	stream.linear.gather [hbm4b:s6+s3], $0x4E80, $0x38;
	[tilespmem:$0x1CC00] =	vst v63  }
0x15: {  	_ =	swait.ge [sflag:s11], $0x4E80  }
0x16: {  	[sflag:s11] =	ssyncset.done $0x0  }
0x17: {  	[sflag:s11] =	ssyncadd.s32 $0xFFFFB180  }
0x18: {  	[bflag:$0x0] =	sbarrier.arrive $0xFFFF  }
0x19: {  	[tilespmem:s12], [sflag:$0x1] =	stream.linear.gather [hbm4b:s9+s3], $0x4000, $0x38;
	[tilespmem:$0x1CC00] =	vst v63  }
0x1a: {  	_ =	swait.ge [sflag:s11], $0x4000  }
0x1b: {  	[sflag:s11] =	ssyncset.done $0x0  }
0x1c: {  	s15 =	simm.s32 $0x0;
	[sflag:s11] =	ssyncadd.s32 $0xFFFFC000  }
0x1d: {  	[spmem:s2] =	stream.indirect.scatter.add.f32 [tilespmem:s12], [sflag:$0x1], $0x80, s15, s13, $0xb8;
	[tilespmem:$0x1CC00] =	vst v63  }
0x1e: {  	_ =	swait.ge [sflag:s11], $0x4000  }
0x1f: {  	s16 =	smov.u32 s9;
	s15 =	simm.s32 $0x200;
	[sflag:s11] =	ssyncset.done $0x0  }
.LBB2_2:
0x20: {  	p0 =	sne.s32 s15, $0x13800;
	[sflag:s11] =	ssyncadd.s32 $0xFFFFC000;
	s16 =	sadd.s32 $0x800, s16  }
0x21: {  	[tilespmem:s12], [sflag:$0x1] =	stream.linear.gather [hbm4b:s16+s3], $0x4000, $0x38;
	[tilespmem:$0x1CC00] =	vst v63  }
0x22: {  	s17 =	smov.u32 s15;
	s15 =	sadd.s32 $0x200, s15;
	_ =	swait.ge [sflag:s11], $0x4000  }
.Ltmp0:
0x23: {  	[sflag:s11] =	ssyncset.done $0x0;
	(pc) =	sbr.rel @p0 .LBB2_2-.Ltmp0, $4  }
0x24: {  	s17 =	sshra.s32 s17, $0x2;
	[sflag:s11] =	ssyncadd.s32 $0xFFFFC000  }
0x25: {  	[spmem:s2] =	stream.indirect.scatter.add.f32 [tilespmem:s12], [sflag:$0x1], $0x80, s17, s13, $0xb8;
	[tilespmem:$0x1CC00] =	vst v63  }
0x26: {  	_ =	swait.ge [sflag:s11], $0x4000  }
0x27: {  	[sflag:s11] =	ssyncset.done $0x0  }
0x28: {  	s14 =	sadd.s32 $0x1, s14  }
0x29: {  	[sflag:s11] =	ssyncadd.s32 $0xFFFFC000;
	p0 =	sne.s32 s14, s8  }
.Ltmp1:
0x2a: {  	[bflag:$0x0] =	sbarrier.arrive $0xFFFF;
	(pc) =	sbr.rel @p0 .LBB2_1-.Ltmp1, $4  }
0x2b: {  	[hbm:s7], [sflag:s5] =	dma.local [spmem:s10], $0x2780  }
0x2c: {  	_ =	swait.ge [sflag:s11], $0x2780  }
0x2d: {  	[sflag:s11] =	ssyncset.done $0x0  }
0x2e: {  	[sflag:s11] =	ssyncadd.s32 $0xFFFFD880  }
0x2f: {  	_ =	sfence.sel $0x180000  }
0x30: {  	[bflag:$0x0] =	sbarrier.arrive $0xFFFF  }
0x31: {  	p0 =	sne.s32 s1, $0x0;
	_ =	strace $0x90000047  }
0x32: {  	s0 =	sadd.s32 @!p0 $0x100000, s0;
	[bflag:$0x2] =	sbarrier.arrive $0xFFFF  }
0x33: {  	[sflag:s0] =	ssyncadd.tile.s32 @!p0 $0x1;
	_ =	shalt  }
.Lfunc_end2:
_tile_overlayer_lowered:
.L_overlay_start_2:
0x34: {  	(tag) =	ssettag $0x2  }
0x35: {  	s0 =	rddreg [dreg:$0x0];
	s2 =	stileid.u32  }
0x36: {  	s1 =	rddreg [dreg:$0x1];
	p0 =	sne.s32 s2, $0x0  }
0x37: {  	s3 =	rddreg [dreg:$0x2];
	[bflag:$0x3] =	sbarrier.arrive $0xFFFF;
	s2 =	simm.s32 @!p0 $0x1C01  }
0x38: {  	[timem:s3], [sflag:s2] =	dma.local @!p0 [hbm:s0], s1  }
0x39: {  	s0 =	simm.s32 @!p0 $0x1  }
0x3a: {  	_ =	swait.ge @!p0 [sflag:s0], s1  }
0x3b: {  	s1 =	ssub.s32 @!p0 $0x0, s1;
	[sflag:s0] =	ssyncset.done @!p0 $0x0  }
0x3c: {  	[sflag:s0] =	ssyncadd.s32 @!p0 s1  }
0x3d: {  	[bflag:$0x3] =	sbarrier.arrive $0xFFFF  }
0x3e: {  	_ =	shalt  }

// kernel: kernel.9.cloned.1.call-start
scs
__scs_entry_jumppad:
0x0: {  	(pc) =	sbr.rel $0x88, $3  }
0x1: {  	(tag) =	ssettag $0x0;
	lr =	simm.s32 $0x1  }
0x2: {  	[smem:$0x3F99] =	sst lr;
	_ =	strace $0xD0000000  }
0x3: {  	_ = 	snop  }
0x4: {  	_ = 	snop  }
0x5: {  	_ = 	snop  }
0x6: {  	_ = 	snop  }
0x7: {  	_ = 	snop  }
__scs_overlays_trampoline_lowered:
0x8: {  	[smem:$0x3FA8] =	sst s0  }
0x9: {  	[smem:$0x3FA9] =	sst s1  }
0xa: {  	[smem:$0x3FAA] =	sst s2  }
0xb: {  	[smem:$0x3FAB] =	sst s3  }
0xc: {  	[smem:$0x3FAC] =	sst s4  }
0xd: {  	[smem:$0x3FAD] =	sst s5  }
0xe: {  	[smem:$0x3FAE] =	sst s6  }
0xf: {  	[smem:$0x3FAF] =	sst s7  }
0x10: {  	[smem:$0x3FB0] =	sst s8  }
0x11: {  	[smem:$0x3FB1] =	sst s9;
	s0 =	simm.s32 @!p0 $0x0  }
0x12: {  	s1 =	sld [smem:$0x3F97];
	s0 =	simm.s32 @p0 $0x1  }
0x13: {  	[smem:$0x3FB2] =	sst s0;
	s0 =	simm.s32 @!p1 $0x0  }
0x14: {  	s2 =	sld [smem:$0x3F96];
	s0 =	simm.s32 @p1 $0x1  }
0x15: {  	[smem:$0x3FB3] =	sst s0;
	s0 =	simm.s32 @!p2 $0x0  }
0x16: {  	s3 =	sld [smem:$0x3FDB];
	s0 =	simm.s32 @p2 $0x1  }
0x17: {  	s4 =	simm.s32 $0x1BF5;
	[smem:$0x3FB5] =	sst s0  }
0x18: {  	s0 =	sld [smem:$0x3F98];
	_ =	swait.ge [sflag:s4], $0x0  }
0x19: {  	s7 =	sld [smem:$0x3F99]  }
0x1a: {  	s8 =	sadd.s32 $0xFFFFE003, lr  }
0x1b: {  	s9 =	sadd.s32 $0xFFFFFEF7, lr;
	s5 =	simm.s32 $0xFFFFFFFF;
	p2 =	slt.u32 s8, $0xFFFFF086  }
0x1c: {  	p1 =	slt.u32 s9, $0xF7A;
	s5 =	simm.s32 @!p2 $0x0  }
0x1d: {  	s5 =	simm.s32 @p1 $0x1;
	p0 =	seq.s32 s7, s2  }
0x1e: {  	s7 =	smul.u32 @!p0 $0xF7A, s2;
	p2 =	seq.s32 @!p0 s5, $0x0  }
0x1f: {  	s9 =	smul.u32 $0xF7A, s1;
	s8 =	simm.s32 @!p0 $0x1BF5;
	p2 =	por !p2, p0  }
0x20: {  	[sflag:s8] =	ssyncset.s32 @!p0 $0xFFFFF086;
	s6 =	sadd.s32 @!p0 s3, s7;
	s7 =	simm.s32 @!p0 $0x108  }
0x21: {  	s3 =	sadd.s32 s3, s9;
	s6 =	sadd.s32 @!p0 $0x88, s6;
	s7 =	simm.s32 @p2 $0x1082  }
0x22: {  	[simem:s7], [sflag:s8] =	dma.local @!p0 [hbm:s6], $0xF7A  }
0x23: {  	s9 =	sor.u32 $0xD0000000, s2;
	s6 =	simm.s32 $0x108;
	_ =	swait.ge @!p0 [sflag:s8], $0x0  }
0x24: {  	s3 =	sadd.s32 $0x88, s3;
	s6 =	simm.s32 @!p1 $0x1082;
	[sflag:s4] =	ssyncset.s32 $0xFFFFF086  }
0x25: {  	[simem:s6], [sflag:s4] =	dma.local [hbm:s3], $0xF7A  }
0x26: {  	[smem:$0x3F99] =	sst s1;
	(tag) =	ssettag s2;
	_ =	strace s9  }
0x27: {  	s1 =	sld [smem:$0x3FA9]  }
0x28: {  	s2 =	sld [smem:$0x3FAA]  }
0x29: {  	s4 =	sld [smem:$0x3FAC]  }
0x2a: {  	p0 =	seq.s32 s5, $0x0;
	s5 =	sld [smem:$0x3FAD]  }
0x2b: {  	s6 =	sld [smem:$0x3FAE]  }
0x2c: {  	s7 =	sld [smem:$0x3FAF]  }
0x2d: {  	s3 =	simm.s32 $0x108;
	s8 =	sld [smem:$0x3FB0]  }
0x2e: {  	s3 =	simm.s32 @!p0 $0x1082;
	s9 =	sld [smem:$0x3FB1]  }
0x2f: {  	lr =	sadd.s32 s0, s3;
	s0 =	sld [smem:$0x3FA8]  }
0x30: {  	s3 =	sld [smem:$0x3FAB]  }
0x31: {  	[smem:$0x3FB4] =	sst s10  }
0x32: {  	s10 =	sld [smem:$0x3FB2];
	_ =	sdelay $0x3  }
0x33: {  	p0 =	seq.s32 s10, $0x1;
	s10 =	sld [smem:$0x3FB4];
	_ =	sdelay $0x3  }
0x34: {  	[smem:$0x3FB4] =	sst s10  }
0x35: {  	s10 =	sld [smem:$0x3FB3];
	_ =	sdelay $0x3  }
0x36: {  	p1 =	seq.s32 s10, $0x1;
	s10 =	sld [smem:$0x3FB4];
	_ =	sdelay $0x3  }
0x37: {  	[smem:$0x3FB4] =	sst s10  }
0x38: {  	s10 =	sld [smem:$0x3FB5]  }
0x39: {  	_ = 	snop;
	(pc) =	sbr.ind lr, $3  }
0x3a: {  	_ = 	snop  }
0x3b: {  	_ = 	snop  }
0x3c: {  	p2 =	seq.s32 s10, $0x1;
	s10 =	sld [smem:$0x3FB4]  }
0x3d: {  	_ =	shalt  }
0x3e: {  	_ =	shalt  }
0x3f: {  	_ =	shalt  }
0x40: {  	_ =	shalt  }
0x41: {  	_ =	shalt  }
0x42: {  	_ =	shalt  }
0x43: {  	_ =	shalt  }
0x44: {  	_ =	shalt  }
0x45: {  	_ =	shalt  }
0x46: {  	_ =	shalt  }
0x47: {  	_ =	shalt  }
0x48: {  	_ =	shalt  }
0x49: {  	_ =	shalt  }
0x4a: {  	_ =	shalt  }
0x4b: {  	_ =	shalt  }
0x4c: {  	_ =	shalt  }
0x4d: {  	_ =	shalt  }
0x4e: {  	_ =	shalt  }
0x4f: {  	_ =	shalt  }
0x50: {  	_ =	shalt  }
0x51: {  	_ =	shalt  }
0x52: {  	_ =	shalt  }
0x53: {  	_ =	shalt  }
0x54: {  	_ =	shalt  }
0x55: {  	_ =	shalt  }
0x56: {  	_ =	shalt  }
0x57: {  	_ =	shalt  }
0x58: {  	_ =	shalt  }
0x59: {  	_ =	shalt  }
0x5a: {  	_ =	shalt  }
0x5b: {  	_ =	shalt  }
0x5c: {  	_ =	shalt  }
0x5d: {  	_ =	shalt  }
0x5e: {  	_ =	shalt  }
0x5f: {  	_ =	shalt  }
0x60: {  	_ =	shalt  }
0x61: {  	_ =	shalt  }
0x62: {  	_ =	shalt  }
0x63: {  	_ =	shalt  }
0x64: {  	_ =	shalt  }
0x65: {  	_ =	shalt  }
0x66: {  	_ =	shalt  }
0x67: {  	_ =	shalt  }
0x68: {  	_ =	shalt  }
0x69: {  	_ =	shalt  }
0x6a: {  	_ =	shalt  }
0x6b: {  	_ =	shalt  }
0x6c: {  	_ =	shalt  }
0x6d: {  	_ =	shalt  }
0x6e: {  	_ =	shalt  }
0x6f: {  	_ =	shalt  }
0x70: {  	_ =	shalt  }
0x71: {  	_ =	shalt  }
0x72: {  	_ =	shalt  }
0x73: {  	_ =	shalt  }
0x74: {  	_ =	shalt  }
0x75: {  	_ =	shalt  }
0x76: {  	_ =	shalt  }
0x77: {  	_ =	shalt  }
0x78: {  	_ =	shalt  }
0x79: {  	_ =	shalt  }
0x7a: {  	_ =	shalt  }
0x7b: {  	_ =	shalt  }
0x7c: {  	_ =	shalt  }
0x7d: {  	_ =	shalt  }
0x7e: {  	_ =	shalt  }
0x7f: {  	_ =	shalt  }
0x80: {  	_ =	shalt  }
0x81: {  	_ =	shalt  }
0x82: {  	_ =	shalt  }
0x83: {  	_ =	shalt  }
0x84: {  	_ =	shalt  }
0x85: {  	_ =	shalt  }
0x86: {  	_ =	shalt  }
0x87: {  	_ =	shalt  }
.Lfunc_end0:
.L_simem_size_0:
called_computation.1_lowered:
.L_overlay_start_0:
0x88: {  	s2 =	sld [smem:$0x3FD9]  }
0x89: {  	s3 =	sld [smem:$0x3FFE];
	_ =	sdelay $0x1  }
0x8a: {  	s1 =	srdreg.scid  }
0x8b: {  	s0 =	sand.u32 $0x1, s1  }
0x8c: {  	s17 =	sshll.u32 s0, $0xA;
	s2 =	sadd.s32 s3, s2  }
0x8d: {  	s2 =	sadd.s32 s2, s17  }
0x8e: {  	[smem:$0x3FC0] =	sst s2  }
0x8f: {  	_ = 	snop  }
0x90: {  	s2 =	sld [smem:$0x3FC8]  }
0x91: {  	s18 =	sld [smem:$0x3FD0];
	(tm) =	ssettm $0x1  }
0x92: {  	s4 =	sld [smem:$0x3FFB];
	_ =	sdelay $0x3  }
0x93: {  	_ =	strace s4  }
0x94: {  	s4 =	sld [smem:$0x3FFC];
	_ =	sdelay $0x3  }
0x95: {  	_ =	strace s4  }
0x96: {  	s4 =	sld [smem:$0x3FFD];
	_ =	sdelay $0x3  }
0x97: {  	_ =	strace s4  }
0x98: {  	_ =	strace $0x8FFFFFFF  }
0x99: {  	s19 =	sld [smem:$0x3FDB];
	_ =	sdelay $0x1  }
0x9a: {  	s5 =	simm.s32 $_scs_section_size  }
0x9b: {  	s6 =	simm.s32 $_size__tile_overlayer_lowered;
	s7 =	simm.s32 $_tile_overlayer_lowered  }
0x9c: {  	s22 =	simm.s32 $0x1BFF;
	s21 =	sshll.u32 s7, $0x1;
	s4 =	sadd.s32 s5, s19  }
0x9d: {  	s8 =	simm.s32 $0x0;
	s20 =	sshll.u32 s6, $0x1;
	s6 =	sadd.s32 s21, s4  }
0x9e: {  	[timem:s8], [sflag:s22] =	dma.local [hbm:s6], s20  }
0x9f: {  	_ =	swait.ge [sflag:s22], s20  }
0xa0: {  	s5 =	ssub.s32 $0x0, s20;
	[sflag:s22] =	ssyncset.done $0x0  }
0xa1: {  	[sflag:s22] =	ssyncadd.s32 s5;
	_ =	sdelay $0x1  }
0xa2: {  	s23 =	simm.s32 $0x1B8B  }
0xa3: {  	_ =	swait.ge [sflag:s23], $0x1  }
0xa4: {  	[sflag:s23] =	ssyncset.done $0x0  }
0xa5: {  	s25 =	simm.s32 $0x1B8E;
	s24 =	sld [smem:$0x3FFE];
	[sflag:s23] =	ssyncadd.s32 $0xFFFFFFFF  }
0xa6: {  	s26 =	simm.s32 $execute0_lowered;
	[smem:$0x3FD2] =	sst s25  }
0xa7: {  	s6 =	sshll.u32 s26, $0x1;
	_ =	strace $0x80000049;
	[dreg:$0x1] =	wrdreg $0xFFFFFFFF  }
0xa8: {  	s28 =	simm.s32 $_size_execute0_lowered;
	s4 =	sadd.s32 s4, s6;
	[dreg:$0x0] =	wrdreg $0x0  }
0xa9: {  	s6 =	sshll.u32 s28, $0x1;
	[dreg:$0x2] =	wrdreg s4  }
0xaa: {  	[dreg:$0x3] =	wrdreg s6  }
0xab: {  	[dreg:$0x4] =	wrdreg $0xC0  }
0xac: {  	_ =	task [dreg:s8], $0x5FFFF  }
0xad: {  	[dreg:$0x1] =	wrdreg $0xFFFFFFFF  }
0xae: {  	[dreg:$0x0] =	wrdreg $0x60  }
0xaf: {  	[dreg:$0x2] =	wrdreg s24  }
0xb0: {  	[dreg:$0x3] =	wrdreg s2  }
0xb1: {  	[dreg:$0x4] =	wrdreg s18  }
0xb2: {  	[dreg:$0x5] =	wrdreg $0x9  }
0xb3: {  	_ =	task.clear_ibuf [dreg:s8], $0x6FFFF;
	_ =	strace $0x90000049  }
0xb4: {  	s29 =	simm.s32 $0x9;
	_ =	strace $0x8000004B  }
0xb5: {  	_ =	swait.ge [sflag:s29], $0x1  }
0xb6: {  	[sflag:s29] =	ssyncadd.s32 $0xFFFFFFFF  }
0xb7: {  	_ =	strace $0x9000004B  }
0xb8: {  	_ =	sfence  }
0xb9: {  	s30 =	sld [smem:$0x0];
	_ =	sdelay $0x2  }
0xba: {  	s31 =	sshll.u32 s1, $0xD;
	s1 =	sshrl.u32 s1, $0x2  }
0xbb: {  	s3 =	sand.u32 $0x4000, s31;
	s1 =	sadd.s32 s1, s30  }
0xbc: {  	s0 =	sor.u32 s3, s0;
	s1 =	sshll.u32 s1, $0x11  }
0xbd: {  	s0 =	sor.u32 s1, s0  }
0xbe: {  	s0 =	sadd.s32 $0x8F2B, s0  }
0xbf: {  	[sflag:s0] =	ssyncadd.remote.s32 $0x1  }
0xc0: {  	_ =	sfence.sel $0xFFFF  }
0xc1: {  	[dreg:$0x0] =	wrdreg $0xFFFFFFFF;
	(pc) =	sbr.abs _section_cstart, $3  }
0xc2: {  	[dreg:$0x1] =	wrdreg $0xFFFFFFFF  }
0xc3: {  	_ =	task.clear_ibuf [dreg:s8], $0x2FFFF;
	_ =	strace $0x9FFFFFFF  }
0xc4: {  	(tm) =	ssettm $0x7FFFFFFF  }
0xc5: {  	_ =	shalt  }
tec
execute0_lowered:
.L_overlay_start_1:
0x0: {  	(tag) =	ssettag $0x1  }
0x1: {  	s3 =	rddreg [dreg:$0x0]  }
0x2: {  	s6 =	rddreg [dreg:$0x1]  }
0x3: {  	s4 =	rddreg [dreg:$0x2]  }
0x4: {  	s0 =	rddreg [dreg:$0x3];
	s1 =	stileid.u32  }
0x5: {  	s2 =	simm.s32 $0x0;
	s5 =	srdreg.scid;
	s7 =	smul.u32 $0x4E200, s1  }
0x6: {  	[smem:$0x7FF] =	sst s2;
	s5 =	sand.u32 $0x1, s5;
	s8 =	smul.u32 $0x4E20, s1  }
0x7: {  	s3 =	sadd.s32 $0x1400, s3;
	s9 =	ssub.s32 $0x2, s5;
	s10 =	smul.u32 $0x2710, s5  }
0x8: {  	_ =	strace $0x8000004A;
	s5 =	smul.u32 $0x27100, s5;
	s11 =	sshrl.u32 s9, $0x1  }
0x9: {  	s7 =	sadd.s32 s7, s4;
	s9 =	ssub.s32 s9, s11;
	s8 =	sadd.s32 s10, s8  }
0xa: {  	s5 =	sadd.s32 s5, s7;
	s7 =	simm.s32 $0x2;
	s10 =	simm.s32 $0x1  }
0xb: {  	s11 =	simm.s32 $0x0;
	s4 =	smax.u32 s9, $0x1;
	s31 =	sshrl.u32 s8, $0x3  }
0xc: {  	s8 =	simm.s32 $0x190;
	s9 =	simm.s32 $0x200;
	s6 =	sadd.s32 s31, s6  }
.LBB2_1:
0xd: {  	s12 =	sadd.s32 $0x0, s6  }
0xe: {  	[tilespmem:s2], [sflag:$0x2] =	stream.linear.gather [hbm4b:s12+s2], $0x190, $0x38;
	[tilespmem:$0xCA00] =	vst v63  }
0xf: {  	_ =	swait.ge [sflag:s7], $0x190  }
0x10: {  	[sflag:s7] =	ssyncset.done $0x0  }
0x11: {  	[sflag:s7] =	ssyncadd.s32 $0xFFFFFE70  }
0x12: {  	[tilespmem:s9], [sflag:$0x1] =	stream.indirect.gather [hbm4b:s3+s8], $0x80, s2, s8, $0xb8;
	[tilespmem:$0xCA00] =	vst v63  }
0x13: {  	_ =	swait.ge [sflag:s10], $0xC800  }
0x14: {  	[sflag:s10] =	ssyncset.done $0x0  }
0x15: {  	[sflag:s10] =	ssyncadd.s32 $0xFFFF3800  }
0x16: {  	[hbm4b:s5+s2] =	stream.linear.scatter [tilespmem:s9], [sflag:$0x2], $0xC800, $0x38;
	[tilespmem:$0xCA00] =	vst v63  }
0x17: {  	s13 =	simm.s32 $0x32;
	_ =	swait.ge [sflag:s7], $0xC800  }
0x18: {  	s14 =	simm.s32 $0x64;
	s12 =	sadd.s32 $0x1900, s5;
	[sflag:s7] =	ssyncset.done $0x0  }
.LBB2_2:
0x19: {  	s15 =	sadd.s32 s13, s6  }
0x1a: {  	[sflag:s7] =	ssyncadd.s32 $0xFFFF3800;
	s13 =	smov.u32 s14;
	s16 =	sadd.s32 $0x32, s14  }
0x1b: {  	[tilespmem:s2], [sflag:$0x2] =	stream.linear.gather [hbm4b:s15+s2], $0x190, $0x38;
	[tilespmem:$0xCA00] =	vst v63  }
0x1c: {  	p0 =	sne.s32 s14, $0x4B0;
	_ =	swait.ge [sflag:s7], $0x190  }
0x1d: {  	[sflag:s7] =	ssyncset.done $0x0  }
0x1e: {  	[sflag:s7] =	ssyncadd.s32 $0xFFFFFE70  }
0x1f: {  	[tilespmem:s9], [sflag:$0x1] =	stream.indirect.gather [hbm4b:s3+s8], $0x80, s2, s8, $0xb8;
	[tilespmem:$0xCA00] =	vst v63  }
0x20: {  	_ =	swait.ge [sflag:s10], $0xC800  }
.Ltmp0:
0x21: {  	[sflag:s10] =	ssyncset.done $0x0;
	(pc) =	sbr.rel @p0 .LBB2_2-.Ltmp0, $4  }
0x22: {  	[sflag:s10] =	ssyncadd.s32 $0xFFFF3800  }
0x23: {  	[hbm4b:s12+s2] =	stream.linear.scatter [tilespmem:s9], [sflag:$0x2], $0xC800, $0x38;
	[tilespmem:$0xCA00] =	vst v63  }
0x24: {  	_ =	swait.ge [sflag:s7], $0xC800  }
0x25: {  	s14 =	smov.u32 s16;
	s12 =	sadd.s32 $0x1900, s12;
	[sflag:s7] =	ssyncset.done $0x0  }
0x26: {  	s13 =	sadd.s32 s13, s6;
	[sflag:s7] =	ssyncadd.s32 $0xFFFF3800  }
0x27: {  	[tilespmem:s2], [sflag:$0x2] =	stream.linear.gather [hbm4b:s13+s2], $0x190, $0x38;
	[tilespmem:$0xCA00] =	vst v63  }
0x28: {  	_ =	swait.ge [sflag:s7], $0x190  }
0x29: {  	[sflag:s7] =	ssyncset.done $0x0  }
0x2a: {  	[sflag:s7] =	ssyncadd.s32 $0xFFFFFE70  }
0x2b: {  	[tilespmem:s9], [sflag:$0x1] =	stream.indirect.gather [hbm4b:s3+s8], $0x80, s2, s8, $0xb8;
	[tilespmem:$0xCA00] =	vst v63  }
0x2c: {  	s11 =	sadd.s32 $0x1, s11;
	_ =	swait.ge [sflag:s10], $0xC800  }
0x2d: {  	p0 =	sne.s32 s11, s4;
	[sflag:s10] =	ssyncset.done $0x0  }
.Ltmp1:
0x2e: {  	[sflag:s10] =	ssyncadd.s32 $0xFFFF3800;
	(pc) =	sbr.rel @p0 .LBB2_1-.Ltmp1, $4  }
0x2f: {  	[hbm4b:s12+s2] =	stream.linear.scatter [tilespmem:s9], [sflag:$0x2], $0xC800, $0x38;
	[tilespmem:$0xCA00] =	vst v63  }
0x30: {  	_ =	swait.ge [sflag:s7], $0xC800  }
0x31: {  	[sflag:s7] =	ssyncset.done $0x0  }
0x32: {  	[sflag:s7] =	ssyncadd.s32 $0xFFFF3800  }
0x33: {  	_ =	sfence.sel $0x180000  }
0x34: {  	[bflag:$0x0] =	sbarrier.arrive $0xFFFF  }
0x35: {  	p0 =	sne.s32 s1, $0x0;
	_ =	strace $0x9000004A  }
0x36: {  	s0 =	sadd.s32 @!p0 $0x100000, s0;
	[bflag:$0x2] =	sbarrier.arrive $0xFFFF  }
0x37: {  	[sflag:s0] =	ssyncadd.tile.s32 @!p0 $0x1;
	_ =	shalt  }
.Lfunc_end2:
_tile_overlayer_lowered:
.L_overlay_start_2:
0x38: {  	(tag) =	ssettag $0x2  }
0x39: {  	s0 =	rddreg [dreg:$0x0];
	s2 =	stileid.u32  }
0x3a: {  	s1 =	rddreg [dreg:$0x1];
	p0 =	sne.s32 s2, $0x0  }
0x3b: {  	s3 =	rddreg [dreg:$0x2];
	[bflag:$0x3] =	sbarrier.arrive $0xFFFF;
	s2 =	simm.s32 @!p0 $0x1C02  }
0x3c: {  	[timem:s3], [sflag:s2] =	dma.local @!p0 [hbm:s0], s1  }
0x3d: {  	s0 =	simm.s32 @!p0 $0x2  }
0x3e: {  	_ =	swait.ge @!p0 [sflag:s0], s1  }
0x3f: {  	s1 =	ssub.s32 @!p0 $0x0, s1;
	[sflag:s0] =	ssyncset.done @!p0 $0x0  }
0x40: {  	[sflag:s0] =	ssyncadd.s32 @!p0 s1  }
0x41: {  	[bflag:$0x3] =	sbarrier.arrive $0xFFFF  }
0x42: {  	_ =	shalt  }

</sc_bundles>
